<compile_context>
chip_gen: v7x
topology: tpu7x:2x2x1
jax: 0.10.2.dev20260603
libtpu: 0.0.44.dev20260713+nightly
codegen_flags: <defaults>
</compile_context>

<pallas_src>
import functools

import jax
import jax.numpy as jnp
from jax import lax
from jax.experimental import pallas as pl
from jax.experimental.pallas import tpu as pltpu
from jax.experimental.pallas import tpu_sc as plsc

_NC = 2
_NS = 16
_NW = _NC * _NS

_CH = 128


_CPB = 1
_NB = 4


def _make_sc_gather(tot, emb):
    per_w = tot // _NW
    n_chunks = per_w // _CH
    n_units = n_chunks // _CPB
    n_groups = n_units // _NB
    mesh = plsc.VectorSubcoreMesh(core_axis_name="c", subcore_axis_name="s")

    scratch = (
        [pltpu.VMEM((n_chunks, _CH), jnp.int32)]
        + [pltpu.VMEM((_CPB * _CH, emb), jnp.float32) for _ in range(_NB)]
        + [pltpu.SemaphoreType.DMA for _ in range(2 * _NB)]
    )

    @functools.partial(
        pl.kernel,
        mesh=mesh,
        out_type=jax.ShapeDtypeStruct((tot, emb), jnp.float32),
        scratch_types=scratch,
    )
    def sc_gather(idx_hbm, table_hbm, out_hbm, idx_v, *bufs):
        rows = bufs[:_NB]
        gsem = bufs[_NB:2 * _NB]
        wsem = bufs[2 * _NB:]
        wid = lax.axis_index("s") * _NC + lax.axis_index("c")
        base = wid * per_w
        pltpu.sync_copy(idx_hbm.at[wid], idx_v)

        def gather(u, b):
            for j in range(_CPB):
                pltpu.async_copy(
                    table_hbm.at[idx_v.at[u * _CPB + j]],
                    rows[b].at[pl.ds(j * _CH, _CH)], gsem[b])

        def wait_gather(u, b):
            for j in range(_CPB):
                pltpu.make_async_copy(
                    table_hbm.at[idx_v.at[u * _CPB + j]],
                    rows[b].at[pl.ds(j * _CH, _CH)], gsem[b]).wait()

        def write(u, b):
            return pltpu.async_copy(
                rows[b], out_hbm.at[pl.ds(base + u * _CPB * _CH, _CPB * _CH)],
                wsem[b])

        def wait_write(u, b):
            pltpu.make_async_copy(
                rows[b], out_hbm.at[pl.ds(base + u * _CPB * _CH, _CPB * _CH)],
                wsem[b]).wait()

        for b in range(_NB):
            gather(b, b)
        for b in range(_NB):
            wait_gather(b, b)
            write(b, b)

        def body(t, carry):
            u0 = t * _NB
            for b in range(_NB):
                wait_write(u0 + b - _NB, b)
                gather(u0 + b, b)
            for b in range(_NB):
                wait_gather(u0 + b, b)
                write(u0 + b, b)
            return carry

        lax.fori_loop(1, n_groups, body, 0)

        for b in range(_NB):
            wait_write((n_groups - 1) * _NB + b, b)

    return sc_gather


def kernel(inputs, table):
    b, l = inputs.shape
    vocab, emb = table.shape
    tot = b * l
    per_w = tot // _NW
    idx3 = inputs.reshape(_NW, per_w // _CH, _CH).astype(jnp.int32)
    out = _make_sc_gather(tot, emb)(idx3, table)
    return out.reshape(b, l, emb)

# --- scband reference (transcript-rebuilt; emitter-appended) ---
"""Pipeline reference for scband-shared-embedding-22024592294304 (READ-ONLY COPY).

The authoritative reference and input builder live on the scoring server;
editing this copy changes nothing except your own understanding.
"""

import jax, jax.numpy as jnp
import numpy as np

VOCAB = 100000
EMB = 128
B = 4096
L = 200

def setup_inputs(seed: int = 0) -> dict:
    key = jax.random.key(seed)
    k1, k2 = jax.random.split(key)
    inputs = jax.random.randint(k1, (B, L), 0, VOCAB, dtype=jnp.int64 if jax.config.jax_enable_x64 else jnp.int32)
    table = jax.random.normal(k2, (VOCAB, EMB), dtype=jnp.float32) * 0.02
    return {"inputs": inputs, "table": table}

def reference(inputs, table):
    # SharedEmbedding.call: embedding lookup (mask_zero affects Keras masking
    # metadata only; the returned embedded tensor is a plain gather).
    embedded = jnp.take(table, inputs, axis=0)
    return embedded

if __name__ == "__main__":
    import jax
    _d = setup_inputs()
    print(jax.jit(kernel)(*tuple(_d.values())))

</pallas_src>

<mosaic_0001>
#map = affine_map<(d0, d1) -> (0, 0, 0)>
#map1 = affine_map<(d0, d1) -> (0, 0)>
module attributes {stable_mosaic.version = 14 : i64} {
  func.func @sc_gather(%arg0: i32, %arg1: i32, %arg2: memref<32x200x128xi32, #tpu.memory_space<hbm>>, %arg3: memref<100000x128xf32, #tpu.memory_space<hbm>>, %arg4: memref<819200x128xf32, #tpu.memory_space<hbm>>, %arg5: memref<200x128xi32, #tpu.memory_space<vmem>>, %arg6: memref<128x128xf32, #tpu.memory_space<vmem>>, %arg7: memref<128x128xf32, #tpu.memory_space<vmem>>, %arg8: memref<128x128xf32, #tpu.memory_space<vmem>>, %arg9: memref<128x128xf32, #tpu.memory_space<vmem>>, %arg10: memref<!tpu.dma_semaphore, #tpu.memory_space<semaphore_mem>>, %arg11: memref<!tpu.dma_semaphore, #tpu.memory_space<semaphore_mem>>, %arg12: memref<!tpu.dma_semaphore, #tpu.memory_space<semaphore_mem>>, %arg13: memref<!tpu.dma_semaphore, #tpu.memory_space<semaphore_mem>>, %arg14: memref<!tpu.dma_semaphore, #tpu.memory_space<semaphore_mem>>, %arg15: memref<!tpu.dma_semaphore, #tpu.memory_space<semaphore_mem>>, %arg16: memref<!tpu.dma_semaphore, #tpu.memory_space<semaphore_mem>>, %arg17: memref<!tpu.dma_semaphore, #tpu.memory_space<semaphore_mem>>) attributes {dimension_semantics = [#tpu.dimension_semantics<core_parallel>, #tpu.dimension_semantics<subcore_parallel>], iteration_bounds = array<i64: 2, 16>, scalar_prefetch = 0 : i64, scratch_operands = 13 : i64, tpu.core_type = #tpu.core_type<sc_vector_subcore>, window_params = [{transform_indices = #map}, {transform_indices = #map1}, {transform_indices = #map1}]} {
    %mul3A = arith.constant 2 : i32
    %mul3A_0 = arith.muli %arg1, %mul3A : i32
    %add3A = arith.addi %mul3A_0, %arg0 : i32
    %mul3A_1 = arith.constant 25600 : i32
    %mul3A_2 = arith.muli %add3A, %mul3A_1 : i32
    "tpu.region"() ({
      %run_scoped3A = tpu.sem_alloc : memref<!tpu.dma_semaphore, #tpu.memory_space<semaphore_mem>>
      %dma_start3A_134 = arith.constant 0 : i32
      %dma_start3A_135 = arith.constant 0 : i32
      %dma_start3A_136 = tpu.memref_slice %arg2[%add3A, %dma_start3A_134, %dma_start3A_135] : memref<32x200x128xi32, #tpu.memory_space<hbm>> -> memref<1x200x128xi32, #tpu.memory_space<hbm>>
      %dma_start3A_137 = tpu.memref_squeeze %dma_start3A_136 : memref<1x200x128xi32, #tpu.memory_space<hbm>> -> memref<200x128xi32, #tpu.memory_space<hbm>>
      %dma_start3A_138 = arith.constant 0 : i32
      %dma_start3A_139 = arith.constant 0 : i32
      %dma_start3A_140 = tpu.memref_slice %arg2[%add3A, %dma_start3A_138, %dma_start3A_139] : memref<32x200x128xi32, #tpu.memory_space<hbm>> -> memref<1x200x128xi32, #tpu.memory_space<hbm>>
      %dma_start3A_141 = tpu.memref_squeeze %dma_start3A_140 : memref<1x200x128xi32, #tpu.memory_space<hbm>> -> memref<200x128xi32, #tpu.memory_space<hbm>>
      tpu.enqueue_dma source(%dma_start3A_141 : memref<200x128xi32, #tpu.memory_space<hbm>>) target(%arg5 : memref<200x128xi32, #tpu.memory_space<vmem>>) target_semaphore(%run_scoped3A : memref<!tpu.dma_semaphore, #tpu.memory_space<semaphore_mem>>)
      %dma_wait3A_142 = arith.constant 0 : i32
      %dma_wait3A_143 = arith.constant 0 : i32
      %dma_wait3A_144 = tpu.memref_slice %arg2[%add3A, %dma_wait3A_142, %dma_wait3A_143] : memref<32x200x128xi32, #tpu.memory_space<hbm>> -> memref<1x200x128xi32, #tpu.memory_space<hbm>>
      %dma_wait3A_145 = tpu.memref_squeeze %dma_wait3A_144 : memref<1x200x128xi32, #tpu.memory_space<hbm>> -> memref<200x128xi32, #tpu.memory_space<hbm>>
      %dma_wait3A_146 = arith.constant 0 : i32
      %dma_wait3A_147 = arith.constant 0 : i32
      %dma_wait3A_148 = tpu.memref_slice %arg2[%add3A, %dma_wait3A_146, %dma_wait3A_147] : memref<32x200x128xi32, #tpu.memory_space<hbm>> -> memref<1x200x128xi32, #tpu.memory_space<hbm>>
      %dma_wait3A_149 = tpu.memref_squeeze %dma_wait3A_148 : memref<1x200x128xi32, #tpu.memory_space<hbm>> -> memref<200x128xi32, #tpu.memory_space<hbm>>
      tpu.wait_dma2 semaphore(%run_scoped3A : memref<!tpu.dma_semaphore, #tpu.memory_space<semaphore_mem>>) src(%dma_wait3A_149 : memref<200x128xi32, #tpu.memory_space<hbm>>) dst(%arg5 : memref<200x128xi32, #tpu.memory_space<vmem>>)
      tpu.yield
    }) : () -> ()
    %dma_start3A = arith.constant 0 : i32
    %dma_start3A_3 = arith.constant 0 : i32
    %dma_start3A_4 = arith.constant 0 : i32
    %dma_start3A_5 = tpu.memref_slice %arg6[%dma_start3A_3, %dma_start3A_4] : memref<128x128xf32, #tpu.memory_space<vmem>> -> memref<128x128xf32, #tpu.memory_space<vmem>>
    %dma_start3A_6 = arith.constant 0 : i32
    %dma_start3A_7 = tpu.memref_slice %arg5[%dma_start3A, %dma_start3A_6] : memref<200x128xi32, #tpu.memory_space<vmem>> -> memref<1x128xi32, #tpu.memory_space<vmem>>
    %dma_start3A_8 = tpu.memref_squeeze %dma_start3A_7 : memref<1x128xi32, #tpu.memory_space<vmem>> -> memref<128xi32, #tpu.memory_space<vmem>>
    %dma_start3A_9 = arith.constant 0 : i32
    %dma_start3A_10 = arith.constant 0 : i32
    %dma_start3A_11 = tpu.memref_slice %arg3[%dma_start3A_9, %dma_start3A_10] : memref<100000x128xf32, #tpu.memory_space<hbm>> -> memref<100000x128xf32, #tpu.memory_space<hbm>>
    tpu.enqueue_indirect_dma source(%dma_start3A_11 : memref<100000x128xf32, #tpu.memory_space<hbm>>) target(%dma_start3A_5 : memref<128x128xf32, #tpu.memory_space<vmem>>) offsets(%dma_start3A_8 : memref<128xi32, #tpu.memory_space<vmem>>) semaphore(%arg10 : memref<!tpu.dma_semaphore, #tpu.memory_space<semaphore_mem>>)
    %dma_start3A_12 = arith.constant 1 : i32
    %dma_start3A_13 = arith.constant 0 : i32
    %dma_start3A_14 = arith.constant 0 : i32
    %dma_start3A_15 = tpu.memref_slice %arg7[%dma_start3A_13, %dma_start3A_14] : memref<128x128xf32, #tpu.memory_space<vmem>> -> memref<128x128xf32, #tpu.memory_space<vmem>>
    %dma_start3A_16 = arith.constant 0 : i32
    %dma_start3A_17 = tpu.memref_slice %arg5[%dma_start3A_12, %dma_start3A_16] : memref<200x128xi32, #tpu.memory_space<vmem>> -> memref<1x128xi32, #tpu.memory_space<vmem>>
    %dma_start3A_18 = tpu.memref_squeeze %dma_start3A_17 : memref<1x128xi32, #tpu.memory_space<vmem>> -> memref<128xi32, #tpu.memory_space<vmem>>
    %dma_start3A_19 = arith.constant 0 : i32
    %dma_start3A_20 = arith.constant 0 : i32
    %dma_start3A_21 = tpu.memref_slice %arg3[%dma_start3A_19, %dma_start3A_20] : memref<100000x128xf32, #tpu.memory_space<hbm>> -> memref<100000x128xf32, #tpu.memory_space<hbm>>
    tpu.enqueue_indirect_dma source(%dma_start3A_21 : memref<100000x128xf32, #tpu.memory_space<hbm>>) target(%dma_start3A_15 : memref<128x128xf32, #tpu.memory_space<vmem>>) offsets(%dma_start3A_18 : memref<128xi32, #tpu.memory_space<vmem>>) semaphore(%arg11 : memref<!tpu.dma_semaphore, #tpu.memory_space<semaphore_mem>>)
    %dma_start3A_22 = arith.constant 2 : i32
    %dma_start3A_23 = arith.constant 0 : i32
    %dma_start3A_24 = arith.constant 0 : i32
    %dma_start3A_25 = tpu.memref_slice %arg8[%dma_start3A_23, %dma_start3A_24] : memref<128x128xf32, #tpu.memory_space<vmem>> -> memref<128x128xf32, #tpu.memory_space<vmem>>
    %dma_start3A_26 = arith.constant 0 : i32
    %dma_start3A_27 = tpu.memref_slice %arg5[%dma_start3A_22, %dma_start3A_26] : memref<200x128xi32, #tpu.memory_space<vmem>> -> memref<1x128xi32, #tpu.memory_space<vmem>>
    %dma_start3A_28 = tpu.memref_squeeze %dma_start3A_27 : memref<1x128xi32, #tpu.memory_space<vmem>> -> memref<128xi32, #tpu.memory_space<vmem>>
    %dma_start3A_29 = arith.constant 0 : i32
    %dma_start3A_30 = arith.constant 0 : i32
    %dma_start3A_31 = tpu.memref_slice %arg3[%dma_start3A_29, %dma_start3A_30] : memref<100000x128xf32, #tpu.memory_space<hbm>> -> memref<100000x128xf32, #tpu.memory_space<hbm>>
    tpu.enqueue_indirect_dma source(%dma_start3A_31 : memref<100000x128xf32, #tpu.memory_space<hbm>>) target(%dma_start3A_25 : memref<128x128xf32, #tpu.memory_space<vmem>>) offsets(%dma_start3A_28 : memref<128xi32, #tpu.memory_space<vmem>>) semaphore(%arg12 : memref<!tpu.dma_semaphore, #tpu.memory_space<semaphore_mem>>)
    %dma_start3A_32 = arith.constant 3 : i32
    %dma_start3A_33 = arith.constant 0 : i32
    %dma_start3A_34 = arith.constant 0 : i32
    %dma_start3A_35 = tpu.memref_slice %arg9[%dma_start3A_33, %dma_start3A_34] : memref<128x128xf32, #tpu.memory_space<vmem>> -> memref<128x128xf32, #tpu.memory_space<vmem>>
    %dma_start3A_36 = arith.constant 0 : i32
    %dma_start3A_37 = tpu.memref_slice %arg5[%dma_start3A_32, %dma_start3A_36] : memref<200x128xi32, #tpu.memory_space<vmem>> -> memref<1x128xi32, #tpu.memory_space<vmem>>
    %dma_start3A_38 = tpu.memref_squeeze %dma_start3A_37 : memref<1x128xi32, #tpu.memory_space<vmem>> -> memref<128xi32, #tpu.memory_space<vmem>>
    %dma_start3A_39 = arith.constant 0 : i32
    %dma_start3A_40 = arith.constant 0 : i32
    %dma_start3A_41 = tpu.memref_slice %arg3[%dma_start3A_39, %dma_start3A_40] : memref<100000x128xf32, #tpu.memory_space<hbm>> -> memref<100000x128xf32, #tpu.memory_space<hbm>>
    tpu.enqueue_indirect_dma source(%dma_start3A_41 : memref<100000x128xf32, #tpu.memory_space<hbm>>) target(%dma_start3A_35 : memref<128x128xf32, #tpu.memory_space<vmem>>) offsets(%dma_start3A_38 : memref<128xi32, #tpu.memory_space<vmem>>) semaphore(%arg13 : memref<!tpu.dma_semaphore, #tpu.memory_space<semaphore_mem>>)
    %dma_wait3A = arith.constant 0 : i32
    %dma_wait3A_42 = arith.constant 0 : i32
    %dma_wait3A_43 = arith.constant 0 : i32
    %dma_wait3A_44 = tpu.memref_slice %arg6[%dma_wait3A_42, %dma_wait3A_43] : memref<128x128xf32, #tpu.memory_space<vmem>> -> memref<128x128xf32, #tpu.memory_space<vmem>>
    %dma_wait3A_45 = arith.constant 0 : i32
    %dma_wait3A_46 = tpu.memref_slice %arg5[%dma_wait3A, %dma_wait3A_45] : memref<200x128xi32, #tpu.memory_space<vmem>> -> memref<1x128xi32, #tpu.memory_space<vmem>>
    %dma_wait3A_47 = tpu.memref_squeeze %dma_wait3A_46 : memref<1x128xi32, #tpu.memory_space<vmem>> -> memref<128xi32, #tpu.memory_space<vmem>>
    %dma_wait3A_48 = arith.constant 0 : i32
    %dma_wait3A_49 = arith.constant 0 : i32
    %dma_wait3A_50 = tpu.memref_slice %arg3[%dma_wait3A_48, %dma_wait3A_49] : memref<100000x128xf32, #tpu.memory_space<hbm>> -> memref<100000x128xf32, #tpu.memory_space<hbm>>
    tpu.wait_indirect_dma semaphore(%arg10 : memref<!tpu.dma_semaphore, #tpu.memory_space<semaphore_mem>>) src(%dma_wait3A_50 : memref<100000x128xf32, #tpu.memory_space<hbm>>) dst(%dma_wait3A_44 : memref<128x128xf32, #tpu.memory_space<vmem>>)
    %add3A_51 = arith.constant 0 : i32
    %add3A_52 = arith.addi %mul3A_2, %add3A_51 : i32
    %dma_start3A_53 = arith.constant 0 : i32
    %dma_start3A_54 = tpu.memref_slice %arg4[%add3A_52, %dma_start3A_53] : memref<819200x128xf32, #tpu.memory_space<hbm>> -> memref<128x128xf32, #tpu.memory_space<hbm>>
    %dma_start3A_55 = arith.constant 0 : i32
    %dma_start3A_56 = tpu.memref_slice %arg4[%add3A_52, %dma_start3A_55] : memref<819200x128xf32, #tpu.memory_space<hbm>> -> memref<128x128xf32, #tpu.memory_space<hbm>>
    tpu.enqueue_dma source(%arg6 : memref<128x128xf32, #tpu.memory_space<vmem>>) target(%dma_start3A_56 : memref<128x128xf32, #tpu.memory_space<hbm>>) target_semaphore(%arg14 : memref<!tpu.dma_semaphore, #tpu.memory_space<semaphore_mem>>)
    %dma_wait3A_57 = arith.constant 1 : i32
    %dma_wait3A_58 = arith.constant 0 : i32
    %dma_wait3A_59 = arith.constant 0 : i32
    %dma_wait3A_60 = tpu.memref_slice %arg7[%dma_wait3A_58, %dma_wait3A_59] : memref<128x128xf32, #tpu.memory_space<vmem>> -> memref<128x128xf32, #tpu.memory_space<vmem>>
    %dma_wait3A_61 = arith.constant 0 : i32
    %dma_wait3A_62 = tpu.memref_slice %arg5[%dma_wait3A_57, %dma_wait3A_61] : memref<200x128xi32, #tpu.memory_space<vmem>> -> memref<1x128xi32, #tpu.memory_space<vmem>>
    %dma_wait3A_63 = tpu.memref_squeeze %dma_wait3A_62 : memref<1x128xi32, #tpu.memory_space<vmem>> -> memref<128xi32, #tpu.memory_space<vmem>>
    %dma_wait3A_64 = arith.constant 0 : i32
    %dma_wait3A_65 = arith.constant 0 : i32
    %dma_wait3A_66 = tpu.memref_slice %arg3[%dma_wait3A_64, %dma_wait3A_65] : memref<100000x128xf32, #tpu.memory_space<hbm>> -> memref<100000x128xf32, #tpu.memory_space<hbm>>
    tpu.wait_indirect_dma semaphore(%arg11 : memref<!tpu.dma_semaphore, #tpu.memory_space<semaphore_mem>>) src(%dma_wait3A_66 : memref<100000x128xf32, #tpu.memory_space<hbm>>) dst(%dma_wait3A_60 : memref<128x128xf32, #tpu.memory_space<vmem>>)
    %add3A_67 = arith.constant 128 : i32
    %add3A_68 = arith.addi %mul3A_2, %add3A_67 : i32
    %dma_start3A_69 = arith.constant 0 : i32
    %dma_start3A_70 = tpu.memref_slice %arg4[%add3A_68, %dma_start3A_69] : memref<819200x128xf32, #tpu.memory_space<hbm>> -> memref<128x128xf32, #tpu.memory_space<hbm>>
    %dma_start3A_71 = arith.constant 0 : i32
    %dma_start3A_72 = tpu.memref_slice %arg4[%add3A_68, %dma_start3A_71] : memref<819200x128xf32, #tpu.memory_space<hbm>> -> memref<128x128xf32, #tpu.memory_space<hbm>>
    tpu.enqueue_dma source(%arg7 : memref<128x128xf32, #tpu.memory_space<vmem>>) target(%dma_start3A_72 : memref<128x128xf32, #tpu.memory_space<hbm>>) target_semaphore(%arg15 : memref<!tpu.dma_semaphore, #tpu.memory_space<semaphore_mem>>)
    %dma_wait3A_73 = arith.constant 2 : i32
    %dma_wait3A_74 = arith.constant 0 : i32
    %dma_wait3A_75 = arith.constant 0 : i32
    %dma_wait3A_76 = tpu.memref_slice %arg8[%dma_wait3A_74, %dma_wait3A_75] : memref<128x128xf32, #tpu.memory_space<vmem>> -> memref<128x128xf32, #tpu.memory_space<vmem>>
    %dma_wait3A_77 = arith.constant 0 : i32
    %dma_wait3A_78 = tpu.memref_slice %arg5[%dma_wait3A_73, %dma_wait3A_77] : memref<200x128xi32, #tpu.memory_space<vmem>> -> memref<1x128xi32, #tpu.memory_space<vmem>>
    %dma_wait3A_79 = tpu.memref_squeeze %dma_wait3A_78 : memref<1x128xi32, #tpu.memory_space<vmem>> -> memref<128xi32, #tpu.memory_space<vmem>>
    %dma_wait3A_80 = arith.constant 0 : i32
    %dma_wait3A_81 = arith.constant 0 : i32
    %dma_wait3A_82 = tpu.memref_slice %arg3[%dma_wait3A_80, %dma_wait3A_81] : memref<100000x128xf32, #tpu.memory_space<hbm>> -> memref<100000x128xf32, #tpu.memory_space<hbm>>
    tpu.wait_indirect_dma semaphore(%arg12 : memref<!tpu.dma_semaphore, #tpu.memory_space<semaphore_mem>>) src(%dma_wait3A_82 : memref<100000x128xf32, #tpu.memory_space<hbm>>) dst(%dma_wait3A_76 : memref<128x128xf32, #tpu.memory_space<vmem>>)
    %add3A_83 = arith.constant 256 : i32
    %add3A_84 = arith.addi %mul3A_2, %add3A_83 : i32
    %dma_start3A_85 = arith.constant 0 : i32
    %dma_start3A_86 = tpu.memref_slice %arg4[%add3A_84, %dma_start3A_85] : memref<819200x128xf32, #tpu.memory_space<hbm>> -> memref<128x128xf32, #tpu.memory_space<hbm>>
    %dma_start3A_87 = arith.constant 0 : i32
    %dma_start3A_88 = tpu.memref_slice %arg4[%add3A_84, %dma_start3A_87] : memref<819200x128xf32, #tpu.memory_space<hbm>> -> memref<128x128xf32, #tpu.memory_space<hbm>>
    tpu.enqueue_dma source(%arg8 : memref<128x128xf32, #tpu.memory_space<vmem>>) target(%dma_start3A_88 : memref<128x128xf32, #tpu.memory_space<hbm>>) target_semaphore(%arg16 : memref<!tpu.dma_semaphore, #tpu.memory_space<semaphore_mem>>)
    %dma_wait3A_89 = arith.constant 3 : i32
    %dma_wait3A_90 = arith.constant 0 : i32
    %dma_wait3A_91 = arith.constant 0 : i32
    %dma_wait3A_92 = tpu.memref_slice %arg9[%dma_wait3A_90, %dma_wait3A_91] : memref<128x128xf32, #tpu.memory_space<vmem>> -> memref<128x128xf32, #tpu.memory_space<vmem>>
    %dma_wait3A_93 = arith.constant 0 : i32
    %dma_wait3A_94 = tpu.memref_slice %arg5[%dma_wait3A_89, %dma_wait3A_93] : memref<200x128xi32, #tpu.memory_space<vmem>> -> memref<1x128xi32, #tpu.memory_space<vmem>>
    %dma_wait3A_95 = tpu.memref_squeeze %dma_wait3A_94 : memref<1x128xi32, #tpu.memory_space<vmem>> -> memref<128xi32, #tpu.memory_space<vmem>>
    %dma_wait3A_96 = arith.constant 0 : i32
    %dma_wait3A_97 = arith.constant 0 : i32
    %dma_wait3A_98 = tpu.memref_slice %arg3[%dma_wait3A_96, %dma_wait3A_97] : memref<100000x128xf32, #tpu.memory_space<hbm>> -> memref<100000x128xf32, #tpu.memory_space<hbm>>
    tpu.wait_indirect_dma semaphore(%arg13 : memref<!tpu.dma_semaphore, #tpu.memory_space<semaphore_mem>>) src(%dma_wait3A_98 : memref<100000x128xf32, #tpu.memory_space<hbm>>) dst(%dma_wait3A_92 : memref<128x128xf32, #tpu.memory_space<vmem>>)
    %add3A_99 = arith.constant 384 : i32
    %add3A_100 = arith.addi %mul3A_2, %add3A_99 : i32
    %dma_start3A_101 = arith.constant 0 : i32
    %dma_start3A_102 = tpu.memref_slice %arg4[%add3A_100, %dma_start3A_101] : memref<819200x128xf32, #tpu.memory_space<hbm>> -> memref<128x128xf32, #tpu.memory_space<hbm>>
    %dma_start3A_103 = arith.constant 0 : i32
    %dma_start3A_104 = tpu.memref_slice %arg4[%add3A_100, %dma_start3A_103] : memref<819200x128xf32, #tpu.memory_space<hbm>> -> memref<128x128xf32, #tpu.memory_space<hbm>>
    tpu.enqueue_dma source(%arg9 : memref<128x128xf32, #tpu.memory_space<vmem>>) target(%dma_start3A_104 : memref<128x128xf32, #tpu.memory_space<hbm>>) target_semaphore(%arg17 : memref<!tpu.dma_semaphore, #tpu.memory_space<semaphore_mem>>)
    %scan3A = arith.constant 0 : i32
    %scan3A_105 = arith.constant 1 : i32
    %scan3A_106 = arith.constant 49 : i32
    %scan3A_107 = arith.addi %scan3A_105, %scan3A_106 : i32
    %scan3A_108 = arith.constant 1 : i32
    scf.for %scan3A_134 = %scan3A_105 to %scan3A_107 step %scan3A_108  : i32 {
      %mul3A_135 = arith.constant 4 : i32
      %mul3A_136 = arith.muli %scan3A_134, %mul3A_135 : i32
      %add3A_137 = arith.constant 0 : i32
      %add3A_138 = arith.addi %mul3A_136, %add3A_137 : i32
      %sub3A = arith.constant 4 : i32
      %sub3A_139 = arith.subi %add3A_138, %sub3A : i32
      %mul3A_140 = arith.constant 1 : i32
      %mul3A_141 = arith.muli %sub3A_139, %mul3A_140 : i32
      %mul3A_142 = arith.constant 128 : i32
      %mul3A_143 = arith.muli %mul3A_141, %mul3A_142 : i32
      %add3A_144 = arith.addi %mul3A_2, %mul3A_143 : i32
      %dma_wait3A_145 = arith.constant 0 : i32
      %dma_wait3A_146 = tpu.memref_slice %arg4[%add3A_144, %dma_wait3A_145] : memref<819200x128xf32, #tpu.memory_space<hbm>> -> memref<128x128xf32, #tpu.memory_space<hbm>>
      %dma_wait3A_147 = arith.constant 0 : i32
      %dma_wait3A_148 = tpu.memref_slice %arg4[%add3A_144, %dma_wait3A_147] : memref<819200x128xf32, #tpu.memory_space<hbm>> -> memref<128x128xf32, #tpu.memory_space<hbm>>
      tpu.wait_dma2 semaphore(%arg14 : memref<!tpu.dma_semaphore, #tpu.memory_space<semaphore_mem>>) src(%arg6 : memref<128x128xf32, #tpu.memory_space<vmem>>) dst(%dma_wait3A_148 : memref<128x128xf32, #tpu.memory_space<hbm>>)
      %add3A_149 = arith.constant 0 : i32
      %add3A_150 = arith.addi %mul3A_136, %add3A_149 : i32
      %mul3A_151 = arith.constant 1 : i32
      %mul3A_152 = arith.muli %add3A_150, %mul3A_151 : i32
      %add3A_153 = arith.constant 0 : i32
      %add3A_154 = arith.addi %mul3A_152, %add3A_153 : i32
      %dma_start3A_155 = arith.constant 0 : i32
      %dma_start3A_156 = arith.constant 0 : i32
      %dma_start3A_157 = tpu.memref_slice %arg6[%dma_start3A_155, %dma_start3A_156] : memref<128x128xf32, #tpu.memory_space<vmem>> -> memref<128x128xf32, #tpu.memory_space<vmem>>
      %dma_start3A_158 = arith.constant 0 : i32
      %dma_start3A_159 = tpu.memref_slice %arg5[%add3A_154, %dma_start3A_158] : memref<200x128xi32, #tpu.memory_space<vmem>> -> memref<1x128xi32, #tpu.memory_space<vmem>>
      %dma_start3A_160 = tpu.memref_squeeze %dma_start3A_159 : memref<1x128xi32, #tpu.memory_space<vmem>> -> memref<128xi32, #tpu.memory_space<vmem>>
      %dma_start3A_161 = arith.constant 0 : i32
      %dma_start3A_162 = arith.constant 0 : i32
      %dma_start3A_163 = tpu.memref_slice %arg3[%dma_start3A_161, %dma_start3A_162] : memref<100000x128xf32, #tpu.memory_space<hbm>> -> memref<100000x128xf32, #tpu.memory_space<hbm>>
      tpu.enqueue_indirect_dma source(%dma_start3A_163 : memref<100000x128xf32, #tpu.memory_space<hbm>>) target(%dma_start3A_157 : memref<128x128xf32, #tpu.memory_space<vmem>>) offsets(%dma_start3A_160 : memref<128xi32, #tpu.memory_space<vmem>>) semaphore(%arg10 : memref<!tpu.dma_semaphore, #tpu.memory_space<semaphore_mem>>)
      %add3A_164 = arith.constant 1 : i32
      %add3A_165 = arith.addi %mul3A_136, %add3A_164 : i32
      %sub3A_166 = arith.constant 4 : i32
      %sub3A_167 = arith.subi %add3A_165, %sub3A_166 : i32
      %mul3A_168 = arith.constant 1 : i32
      %mul3A_169 = arith.muli %sub3A_167, %mul3A_168 : i32
      %mul3A_170 = arith.constant 128 : i32
      %mul3A_171 = arith.muli %mul3A_169, %mul3A_170 : i32
      %add3A_172 = arith.addi %mul3A_2, %mul3A_171 : i32
      %dma_wait3A_173 = arith.constant 0 : i32
      %dma_wait3A_174 = tpu.memref_slice %arg4[%add3A_172, %dma_wait3A_173] : memref<819200x128xf32, #tpu.memory_space<hbm>> -> memref<128x128xf32, #tpu.memory_space<hbm>>
      %dma_wait3A_175 = arith.constant 0 : i32
      %dma_wait3A_176 = tpu.memref_slice %arg4[%add3A_172, %dma_wait3A_175] : memref<819200x128xf32, #tpu.memory_space<hbm>> -> memref<128x128xf32, #tpu.memory_space<hbm>>
      tpu.wait_dma2 semaphore(%arg15 : memref<!tpu.dma_semaphore, #tpu.memory_space<semaphore_mem>>) src(%arg7 : memref<128x128xf32, #tpu.memory_space<vmem>>) dst(%dma_wait3A_176 : memref<128x128xf32, #tpu.memory_space<hbm>>)
      %add3A_177 = arith.constant 1 : i32
      %add3A_178 = arith.addi %mul3A_136, %add3A_177 : i32
      %mul3A_179 = arith.constant 1 : i32
      %mul3A_180 = arith.muli %add3A_178, %mul3A_179 : i32
      %add3A_181 = arith.constant 0 : i32
      %add3A_182 = arith.addi %mul3A_180, %add3A_181 : i32
      %dma_start3A_183 = arith.constant 0 : i32
      %dma_start3A_184 = arith.constant 0 : i32
      %dma_start3A_185 = tpu.memref_slice %arg7[%dma_start3A_183, %dma_start3A_184] : memref<128x128xf32, #tpu.memory_space<vmem>> -> memref<128x128xf32, #tpu.memory_space<vmem>>
      %dma_start3A_186 = arith.constant 0 : i32
      %dma_start3A_187 = tpu.memref_slice %arg5[%add3A_182, %dma_start3A_186] : memref<200x128xi32, #tpu.memory_space<vmem>> -> memref<1x128xi32, #tpu.memory_space<vmem>>
      %dma_start3A_188 = tpu.memref_squeeze %dma_start3A_187 : memref<1x128xi32, #tpu.memory_space<vmem>> -> memref<128xi32, #tpu.memory_space<vmem>>
      %dma_start3A_189 = arith.constant 0 : i32
      %dma_start3A_190 = arith.constant 0 : i32
      %dma_start3A_191 = tpu.memref_slice %arg3[%dma_start3A_189, %dma_start3A_190] : memref<100000x128xf32, #tpu.memory_space<hbm>> -> memref<100000x128xf32, #tpu.memory_space<hbm>>
      tpu.enqueue_indirect_dma source(%dma_start3A_191 : memref<100000x128xf32, #tpu.memory_space<hbm>>) target(%dma_start3A_185 : memref<128x128xf32, #tpu.memory_space<vmem>>) offsets(%dma_start3A_188 : memref<128xi32, #tpu.memory_space<vmem>>) semaphore(%arg11 : memref<!tpu.dma_semaphore, #tpu.memory_space<semaphore_mem>>)
      %add3A_192 = arith.constant 2 : i32
      %add3A_193 = arith.addi %mul3A_136, %add3A_192 : i32
      %sub3A_194 = arith.constant 4 : i32
      %sub3A_195 = arith.subi %add3A_193, %sub3A_194 : i32
      %mul3A_196 = arith.constant 1 : i32
      %mul3A_197 = arith.muli %sub3A_195, %mul3A_196 : i32
      %mul3A_198 = arith.constant 128 : i32
      %mul3A_199 = arith.muli %mul3A_197, %mul3A_198 : i32
      %add3A_200 = arith.addi %mul3A_2, %mul3A_199 : i32
      %dma_wait3A_201 = arith.constant 0 : i32
      %dma_wait3A_202 = tpu.memref_slice %arg4[%add3A_200, %dma_wait3A_201] : memref<819200x128xf32, #tpu.memory_space<hbm>> -> memref<128x128xf32, #tpu.memory_space<hbm>>
      %dma_wait3A_203 = arith.constant 0 : i32
      %dma_wait3A_204 = tpu.memref_slice %arg4[%add3A_200, %dma_wait3A_203] : memref<819200x128xf32, #tpu.memory_space<hbm>> -> memref<128x128xf32, #tpu.memory_space<hbm>>
      tpu.wait_dma2 semaphore(%arg16 : memref<!tpu.dma_semaphore, #tpu.memory_space<semaphore_mem>>) src(%arg8 : memref<128x128xf32, #tpu.memory_space<vmem>>) dst(%dma_wait3A_204 : memref<128x128xf32, #tpu.memory_space<hbm>>)
      %add3A_205 = arith.constant 2 : i32
      %add3A_206 = arith.addi %mul3A_136, %add3A_205 : i32
      %mul3A_207 = arith.constant 1 : i32
      %mul3A_208 = arith.muli %add3A_206, %mul3A_207 : i32
      %add3A_209 = arith.constant 0 : i32
      %add3A_210 = arith.addi %mul3A_208, %add3A_209 : i32
      %dma_start3A_211 = arith.constant 0 : i32
      %dma_start3A_212 = arith.constant 0 : i32
      %dma_start3A_213 = tpu.memref_slice %arg8[%dma_start3A_211, %dma_start3A_212] : memref<128x128xf32, #tpu.memory_space<vmem>> -> memref<128x128xf32, #tpu.memory_space<vmem>>
      %dma_start3A_214 = arith.constant 0 : i32
      %dma_start3A_215 = tpu.memref_slice %arg5[%add3A_210, %dma_start3A_214] : memref<200x128xi32, #tpu.memory_space<vmem>> -> memref<1x128xi32, #tpu.memory_space<vmem>>
      %dma_start3A_216 = tpu.memref_squeeze %dma_start3A_215 : memref<1x128xi32, #tpu.memory_space<vmem>> -> memref<128xi32, #tpu.memory_space<vmem>>
      %dma_start3A_217 = arith.constant 0 : i32
      %dma_start3A_218 = arith.constant 0 : i32
      %dma_start3A_219 = tpu.memref_slice %arg3[%dma_start3A_217, %dma_start3A_218] : memref<100000x128xf32, #tpu.memory_space<hbm>> -> memref<100000x128xf32, #tpu.memory_space<hbm>>
      tpu.enqueue_indirect_dma source(%dma_start3A_219 : memref<100000x128xf32, #tpu.memory_space<hbm>>) target(%dma_start3A_213 : memref<128x128xf32, #tpu.memory_space<vmem>>) offsets(%dma_start3A_216 : memref<128xi32, #tpu.memory_space<vmem>>) semaphore(%arg12 : memref<!tpu.dma_semaphore, #tpu.memory_space<semaphore_mem>>)
      %add3A_220 = arith.constant 3 : i32
      %add3A_221 = arith.addi %mul3A_136, %add3A_220 : i32
      %sub3A_222 = arith.constant 4 : i32
      %sub3A_223 = arith.subi %add3A_221, %sub3A_222 : i32
      %mul3A_224 = arith.constant 1 : i32
      %mul3A_225 = arith.muli %sub3A_223, %mul3A_224 : i32
      %mul3A_226 = arith.constant 128 : i32
      %mul3A_227 = arith.muli %mul3A_225, %mul3A_226 : i32
      %add3A_228 = arith.addi %mul3A_2, %mul3A_227 : i32
      %dma_wait3A_229 = arith.constant 0 : i32
      %dma_wait3A_230 = tpu.memref_slice %arg4[%add3A_228, %dma_wait3A_229] : memref<819200x128xf32, #tpu.memory_space<hbm>> -> memref<128x128xf32, #tpu.memory_space<hbm>>
      %dma_wait3A_231 = arith.constant 0 : i32
      %dma_wait3A_232 = tpu.memref_slice %arg4[%add3A_228, %dma_wait3A_231] : memref<819200x128xf32, #tpu.memory_space<hbm>> -> memref<128x128xf32, #tpu.memory_space<hbm>>
      tpu.wait_dma2 semaphore(%arg17 : memref<!tpu.dma_semaphore, #tpu.memory_space<semaphore_mem>>) src(%arg9 : memref<128x128xf32, #tpu.memory_space<vmem>>) dst(%dma_wait3A_232 : memref<128x128xf32, #tpu.memory_space<hbm>>)
      %add3A_233 = arith.constant 3 : i32
      %add3A_234 = arith.addi %mul3A_136, %add3A_233 : i32
      %mul3A_235 = arith.constant 1 : i32
      %mul3A_236 = arith.muli %add3A_234, %mul3A_235 : i32
      %add3A_237 = arith.constant 0 : i32
      %add3A_238 = arith.addi %mul3A_236, %add3A_237 : i32
      %dma_start3A_239 = arith.constant 0 : i32
      %dma_start3A_240 = arith.constant 0 : i32
      %dma_start3A_241 = tpu.memref_slice %arg9[%dma_start3A_239, %dma_start3A_240] : memref<128x128xf32, #tpu.memory_space<vmem>> -> memref<128x128xf32, #tpu.memory_space<vmem>>
      %dma_start3A_242 = arith.constant 0 : i32
      %dma_start3A_243 = tpu.memref_slice %arg5[%add3A_238, %dma_start3A_242] : memref<200x128xi32, #tpu.memory_space<vmem>> -> memref<1x128xi32, #tpu.memory_space<vmem>>
      %dma_start3A_244 = tpu.memref_squeeze %dma_start3A_243 : memref<1x128xi32, #tpu.memory_space<vmem>> -> memref<128xi32, #tpu.memory_space<vmem>>
      %dma_start3A_245 = arith.constant 0 : i32
      %dma_start3A_246 = arith.constant 0 : i32
      %dma_start3A_247 = tpu.memref_slice %arg3[%dma_start3A_245, %dma_start3A_246] : memref<100000x128xf32, #tpu.memory_space<hbm>> -> memref<100000x128xf32, #tpu.memory_space<hbm>>
      tpu.enqueue_indirect_dma source(%dma_start3A_247 : memref<100000x128xf32, #tpu.memory_space<hbm>>) target(%dma_start3A_241 : memref<128x128xf32, #tpu.memory_space<vmem>>) offsets(%dma_start3A_244 : memref<128xi32, #tpu.memory_space<vmem>>) semaphore(%arg13 : memref<!tpu.dma_semaphore, #tpu.memory_space<semaphore_mem>>)
      %add3A_248 = arith.constant 0 : i32
      %add3A_249 = arith.addi %mul3A_136, %add3A_248 : i32
      %mul3A_250 = arith.constant 1 : i32
      %mul3A_251 = arith.muli %add3A_249, %mul3A_250 : i32
      %add3A_252 = arith.constant 0 : i32
      %add3A_253 = arith.addi %mul3A_251, %add3A_252 : i32
      %dma_wait3A_254 = arith.constant 0 : i32
      %dma_wait3A_255 = arith.constant 0 : i32
      %dma_wait3A_256 = tpu.memref_slice %arg6[%dma_wait3A_254, %dma_wait3A_255] : memref<128x128xf32, #tpu.memory_space<vmem>> -> memref<128x128xf32, #tpu.memory_space<vmem>>
      %dma_wait3A_257 = arith.constant 0 : i32
      %dma_wait3A_258 = tpu.memref_slice %arg5[%add3A_253, %dma_wait3A_257] : memref<200x128xi32, #tpu.memory_space<vmem>> -> memref<1x128xi32, #tpu.memory_space<vmem>>
      %dma_wait3A_259 = tpu.memref_squeeze %dma_wait3A_258 : memref<1x128xi32, #tpu.memory_space<vmem>> -> memref<128xi32, #tpu.memory_space<vmem>>
      %dma_wait3A_260 = arith.constant 0 : i32
      %dma_wait3A_261 = arith.constant 0 : i32
      %dma_wait3A_262 = tpu.memref_slice %arg3[%dma_wait3A_260, %dma_wait3A_261] : memref<100000x128xf32, #tpu.memory_space<hbm>> -> memref<100000x128xf32, #tpu.memory_space<hbm>>
      tpu.wait_indirect_dma semaphore(%arg10 : memref<!tpu.dma_semaphore, #tpu.memory_space<semaphore_mem>>) src(%dma_wait3A_262 : memref<100000x128xf32, #tpu.memory_space<hbm>>) dst(%dma_wait3A_256 : memref<128x128xf32, #tpu.memory_space<vmem>>)
      %add3A_263 = arith.constant 0 : i32
      %add3A_264 = arith.addi %mul3A_136, %add3A_263 : i32
      %mul3A_265 = arith.constant 1 : i32
      %mul3A_266 = arith.muli %add3A_264, %mul3A_265 : i32
      %mul3A_267 = arith.constant 128 : i32
      %mul3A_268 = arith.muli %mul3A_266, %mul3A_267 : i32
      %add3A_269 = arith.addi %mul3A_2, %mul3A_268 : i32
      %dma_start3A_270 = arith.constant 0 : i32
      %dma_start3A_271 = tpu.memref_slice %arg4[%add3A_269, %dma_start3A_270] : memref<819200x128xf32, #tpu.memory_space<hbm>> -> memref<128x128xf32, #tpu.memory_space<hbm>>
      %dma_start3A_272 = arith.constant 0 : i32
      %dma_start3A_273 = tpu.memref_slice %arg4[%add3A_269, %dma_start3A_272] : memref<819200x128xf32, #tpu.memory_space<hbm>> -> memref<128x128xf32, #tpu.memory_space<hbm>>
      tpu.enqueue_dma source(%arg6 : memref<128x128xf32, #tpu.memory_space<vmem>>) target(%dma_start3A_273 : memref<128x128xf32, #tpu.memory_space<hbm>>) target_semaphore(%arg14 : memref<!tpu.dma_semaphore, #tpu.memory_space<semaphore_mem>>)
      %add3A_274 = arith.constant 1 : i32
      %add3A_275 = arith.addi %mul3A_136, %add3A_274 : i32
      %mul3A_276 = arith.constant 1 : i32
      %mul3A_277 = arith.muli %add3A_275, %mul3A_276 : i32
      %add3A_278 = arith.constant 0 : i32
      %add3A_279 = arith.addi %mul3A_277, %add3A_278 : i32
      %dma_wait3A_280 = arith.constant 0 : i32
      %dma_wait3A_281 = arith.constant 0 : i32
      %dma_wait3A_282 = tpu.memref_slice %arg7[%dma_wait3A_280, %dma_wait3A_281] : memref<128x128xf32, #tpu.memory_space<vmem>> -> memref<128x128xf32, #tpu.memory_space<vmem>>
      %dma_wait3A_283 = arith.constant 0 : i32
      %dma_wait3A_284 = tpu.memref_slice %arg5[%add3A_279, %dma_wait3A_283] : memref<200x128xi32, #tpu.memory_space<vmem>> -> memref<1x128xi32, #tpu.memory_space<vmem>>
      %dma_wait3A_285 = tpu.memref_squeeze %dma_wait3A_284 : memref<1x128xi32, #tpu.memory_space<vmem>> -> memref<128xi32, #tpu.memory_space<vmem>>
      %dma_wait3A_286 = arith.constant 0 : i32
      %dma_wait3A_287 = arith.constant 0 : i32
      %dma_wait3A_288 = tpu.memref_slice %arg3[%dma_wait3A_286, %dma_wait3A_287] : memref<100000x128xf32, #tpu.memory_space<hbm>> -> memref<100000x128xf32, #tpu.memory_space<hbm>>
      tpu.wait_indirect_dma semaphore(%arg11 : memref<!tpu.dma_semaphore, #tpu.memory_space<semaphore_mem>>) src(%dma_wait3A_288 : memref<100000x128xf32, #tpu.memory_space<hbm>>) dst(%dma_wait3A_282 : memref<128x128xf32, #tpu.memory_space<vmem>>)
      %add3A_289 = arith.constant 1 : i32
      %add3A_290 = arith.addi %mul3A_136, %add3A_289 : i32
      %mul3A_291 = arith.constant 1 : i32
      %mul3A_292 = arith.muli %add3A_290, %mul3A_291 : i32
      %mul3A_293 = arith.constant 128 : i32
      %mul3A_294 = arith.muli %mul3A_292, %mul3A_293 : i32
      %add3A_295 = arith.addi %mul3A_2, %mul3A_294 : i32
      %dma_start3A_296 = arith.constant 0 : i32
      %dma_start3A_297 = tpu.memref_slice %arg4[%add3A_295, %dma_start3A_296] : memref<819200x128xf32, #tpu.memory_space<hbm>> -> memref<128x128xf32, #tpu.memory_space<hbm>>
      %dma_start3A_298 = arith.constant 0 : i32
      %dma_start3A_299 = tpu.memref_slice %arg4[%add3A_295, %dma_start3A_298] : memref<819200x128xf32, #tpu.memory_space<hbm>> -> memref<128x128xf32, #tpu.memory_space<hbm>>
      tpu.enqueue_dma source(%arg7 : memref<128x128xf32, #tpu.memory_space<vmem>>) target(%dma_start3A_299 : memref<128x128xf32, #tpu.memory_space<hbm>>) target_semaphore(%arg15 : memref<!tpu.dma_semaphore, #tpu.memory_space<semaphore_mem>>)
      %add3A_300 = arith.constant 2 : i32
      %add3A_301 = arith.addi %mul3A_136, %add3A_300 : i32
      %mul3A_302 = arith.constant 1 : i32
      %mul3A_303 = arith.muli %add3A_301, %mul3A_302 : i32
      %add3A_304 = arith.constant 0 : i32
      %add3A_305 = arith.addi %mul3A_303, %add3A_304 : i32
      %dma_wait3A_306 = arith.constant 0 : i32
      %dma_wait3A_307 = arith.constant 0 : i32
      %dma_wait3A_308 = tpu.memref_slice %arg8[%dma_wait3A_306, %dma_wait3A_307] : memref<128x128xf32, #tpu.memory_space<vmem>> -> memref<128x128xf32, #tpu.memory_space<vmem>>
      %dma_wait3A_309 = arith.constant 0 : i32
      %dma_wait3A_310 = tpu.memref_slice %arg5[%add3A_305, %dma_wait3A_309] : memref<200x128xi32, #tpu.memory_space<vmem>> -> memref<1x128xi32, #tpu.memory_space<vmem>>
      %dma_wait3A_311 = tpu.memref_squeeze %dma_wait3A_310 : memref<1x128xi32, #tpu.memory_space<vmem>> -> memref<128xi32, #tpu.memory_space<vmem>>
      %dma_wait3A_312 = arith.constant 0 : i32
      %dma_wait3A_313 = arith.constant 0 : i32
      %dma_wait3A_314 = tpu.memref_slice %arg3[%dma_wait3A_312, %dma_wait3A_313] : memref<100000x128xf32, #tpu.memory_space<hbm>> -> memref<100000x128xf32, #tpu.memory_space<hbm>>
      tpu.wait_indirect_dma semaphore(%arg12 : memref<!tpu.dma_semaphore, #tpu.memory_space<semaphore_mem>>) src(%dma_wait3A_314 : memref<100000x128xf32, #tpu.memory_space<hbm>>) dst(%dma_wait3A_308 : memref<128x128xf32, #tpu.memory_space<vmem>>)
      %add3A_315 = arith.constant 2 : i32
      %add3A_316 = arith.addi %mul3A_136, %add3A_315 : i32
      %mul3A_317 = arith.constant 1 : i32
      %mul3A_318 = arith.muli %add3A_316, %mul3A_317 : i32
      %mul3A_319 = arith.constant 128 : i32
      %mul3A_320 = arith.muli %mul3A_318, %mul3A_319 : i32
      %add3A_321 = arith.addi %mul3A_2, %mul3A_320 : i32
      %dma_start3A_322 = arith.constant 0 : i32
      %dma_start3A_323 = tpu.memref_slice %arg4[%add3A_321, %dma_start3A_322] : memref<819200x128xf32, #tpu.memory_space<hbm>> -> memref<128x128xf32, #tpu.memory_space<hbm>>
      %dma_start3A_324 = arith.constant 0 : i32
      %dma_start3A_325 = tpu.memref_slice %arg4[%add3A_321, %dma_start3A_324] : memref<819200x128xf32, #tpu.memory_space<hbm>> -> memref<128x128xf32, #tpu.memory_space<hbm>>
      tpu.enqueue_dma source(%arg8 : memref<128x128xf32, #tpu.memory_space<vmem>>) target(%dma_start3A_325 : memref<128x128xf32, #tpu.memory_space<hbm>>) target_semaphore(%arg16 : memref<!tpu.dma_semaphore, #tpu.memory_space<semaphore_mem>>)
      %add3A_326 = arith.constant 3 : i32
      %add3A_327 = arith.addi %mul3A_136, %add3A_326 : i32
      %mul3A_328 = arith.constant 1 : i32
      %mul3A_329 = arith.muli %add3A_327, %mul3A_328 : i32
      %add3A_330 = arith.constant 0 : i32
      %add3A_331 = arith.addi %mul3A_329, %add3A_330 : i32
      %dma_wait3A_332 = arith.constant 0 : i32
      %dma_wait3A_333 = arith.constant 0 : i32
      %dma_wait3A_334 = tpu.memref_slice %arg9[%dma_wait3A_332, %dma_wait3A_333] : memref<128x128xf32, #tpu.memory_space<vmem>> -> memref<128x128xf32, #tpu.memory_space<vmem>>
      %dma_wait3A_335 = arith.constant 0 : i32
      %dma_wait3A_336 = tpu.memref_slice %arg5[%add3A_331, %dma_wait3A_335] : memref<200x128xi32, #tpu.memory_space<vmem>> -> memref<1x128xi32, #tpu.memory_space<vmem>>
      %dma_wait3A_337 = tpu.memref_squeeze %dma_wait3A_336 : memref<1x128xi32, #tpu.memory_space<vmem>> -> memref<128xi32, #tpu.memory_space<vmem>>
      %dma_wait3A_338 = arith.constant 0 : i32
      %dma_wait3A_339 = arith.constant 0 : i32
      %dma_wait3A_340 = tpu.memref_slice %arg3[%dma_wait3A_338, %dma_wait3A_339] : memref<100000x128xf32, #tpu.memory_space<hbm>> -> memref<100000x128xf32, #tpu.memory_space<hbm>>
      tpu.wait_indirect_dma semaphore(%arg13 : memref<!tpu.dma_semaphore, #tpu.memory_space<semaphore_mem>>) src(%dma_wait3A_340 : memref<100000x128xf32, #tpu.memory_space<hbm>>) dst(%dma_wait3A_334 : memref<128x128xf32, #tpu.memory_space<vmem>>)
      %add3A_341 = arith.constant 3 : i32
      %add3A_342 = arith.addi %mul3A_136, %add3A_341 : i32
      %mul3A_343 = arith.constant 1 : i32
      %mul3A_344 = arith.muli %add3A_342, %mul3A_343 : i32
      %mul3A_345 = arith.constant 128 : i32
      %mul3A_346 = arith.muli %mul3A_344, %mul3A_345 : i32
      %add3A_347 = arith.addi %mul3A_2, %mul3A_346 : i32
      %dma_start3A_348 = arith.constant 0 : i32
      %dma_start3A_349 = tpu.memref_slice %arg4[%add3A_347, %dma_start3A_348] : memref<819200x128xf32, #tpu.memory_space<hbm>> -> memref<128x128xf32, #tpu.memory_space<hbm>>
      %dma_start3A_350 = arith.constant 0 : i32
      %dma_start3A_351 = tpu.memref_slice %arg4[%add3A_347, %dma_start3A_350] : memref<819200x128xf32, #tpu.memory_space<hbm>> -> memref<128x128xf32, #tpu.memory_space<hbm>>
      tpu.enqueue_dma source(%arg9 : memref<128x128xf32, #tpu.memory_space<vmem>>) target(%dma_start3A_351 : memref<128x128xf32, #tpu.memory_space<hbm>>) target_semaphore(%arg17 : memref<!tpu.dma_semaphore, #tpu.memory_space<semaphore_mem>>)
    }
    %scan3A_109 = arith.constant 49 : i32
    %add3A_110 = arith.constant 25088 : i32
    %add3A_111 = arith.addi %mul3A_2, %add3A_110 : i32
    %dma_wait3A_112 = arith.constant 0 : i32
    %dma_wait3A_113 = tpu.memref_slice %arg4[%add3A_111, %dma_wait3A_112] : memref<819200x128xf32, #tpu.memory_space<hbm>> -> memref<128x128xf32, #tpu.memory_space<hbm>>
    %dma_wait3A_114 = arith.constant 0 : i32
    %dma_wait3A_115 = tpu.memref_slice %arg4[%add3A_111, %dma_wait3A_114] : memref<819200x128xf32, #tpu.memory_space<hbm>> -> memref<128x128xf32, #tpu.memory_space<hbm>>
    tpu.wait_dma2 semaphore(%arg14 : memref<!tpu.dma_semaphore, #tpu.memory_space<semaphore_mem>>) src(%arg6 : memref<128x128xf32, #tpu.memory_space<vmem>>) dst(%dma_wait3A_115 : memref<128x128xf32, #tpu.memory_space<hbm>>)
    %add3A_116 = arith.constant 25216 : i32
    %add3A_117 = arith.addi %mul3A_2, %add3A_116 : i32
    %dma_wait3A_118 = arith.constant 0 : i32
    %dma_wait3A_119 = tpu.memref_slice %arg4[%add3A_117, %dma_wait3A_118] : memref<819200x128xf32, #tpu.memory_space<hbm>> -> memref<128x128xf32, #tpu.memory_space<hbm>>
    %dma_wait3A_120 = arith.constant 0 : i32
    %dma_wait3A_121 = tpu.memref_slice %arg4[%add3A_117, %dma_wait3A_120] : memref<819200x128xf32, #tpu.memory_space<hbm>> -> memref<128x128xf32, #tpu.memory_space<hbm>>
    tpu.wait_dma2 semaphore(%arg15 : memref<!tpu.dma_semaphore, #tpu.memory_space<semaphore_mem>>) src(%arg7 : memref<128x128xf32, #tpu.memory_space<vmem>>) dst(%dma_wait3A_121 : memref<128x128xf32, #tpu.memory_space<hbm>>)
    %add3A_122 = arith.constant 25344 : i32
    %add3A_123 = arith.addi %mul3A_2, %add3A_122 : i32
    %dma_wait3A_124 = arith.constant 0 : i32
    %dma_wait3A_125 = tpu.memref_slice %arg4[%add3A_123, %dma_wait3A_124] : memref<819200x128xf32, #tpu.memory_space<hbm>> -> memref<128x128xf32, #tpu.memory_space<hbm>>
    %dma_wait3A_126 = arith.constant 0 : i32
    %dma_wait3A_127 = tpu.memref_slice %arg4[%add3A_123, %dma_wait3A_126] : memref<819200x128xf32, #tpu.memory_space<hbm>> -> memref<128x128xf32, #tpu.memory_space<hbm>>
    tpu.wait_dma2 semaphore(%arg16 : memref<!tpu.dma_semaphore, #tpu.memory_space<semaphore_mem>>) src(%arg8 : memref<128x128xf32, #tpu.memory_space<vmem>>) dst(%dma_wait3A_127 : memref<128x128xf32, #tpu.memory_space<hbm>>)
    %add3A_128 = arith.constant 25472 : i32
    %add3A_129 = arith.addi %mul3A_2, %add3A_128 : i32
    %dma_wait3A_130 = arith.constant 0 : i32
    %dma_wait3A_131 = tpu.memref_slice %arg4[%add3A_129, %dma_wait3A_130] : memref<819200x128xf32, #tpu.memory_space<hbm>> -> memref<128x128xf32, #tpu.memory_space<hbm>>
    %dma_wait3A_132 = arith.constant 0 : i32
    %dma_wait3A_133 = tpu.memref_slice %arg4[%add3A_129, %dma_wait3A_132] : memref<819200x128xf32, #tpu.memory_space<hbm>> -> memref<128x128xf32, #tpu.memory_space<hbm>>
    tpu.wait_dma2 semaphore(%arg17 : memref<!tpu.dma_semaphore, #tpu.memory_space<semaphore_mem>>) src(%arg9 : memref<128x128xf32, #tpu.memory_space<vmem>>) dst(%dma_wait3A_133 : memref<128x128xf32, #tpu.memory_space<hbm>>)
    return
  }
}

</mosaic_0001>

<sc_bundles>
// kernel: kernel.3.cloned.1.call-start
scs
__scs_entry_jumppad:
0x0: {  	(pc) =	sbr.rel $0x88, $3  }
0x1: {  	(tag) =	ssettag $0x0;
	lr =	simm.s32 $0x1  }
0x2: {  	[smem:$0x3F9F] =	sst lr;
	_ =	strace $0xD0000000  }
0x3: {  	_ = 	snop  }
0x4: {  	_ = 	snop  }
0x5: {  	_ = 	snop  }
0x6: {  	_ = 	snop  }
0x7: {  	_ = 	snop  }
__scs_overlays_trampoline_lowered:
0x8: {  	[smem:$0x3FAE] =	sst s0  }
0x9: {  	[smem:$0x3FAF] =	sst s1  }
0xa: {  	[smem:$0x3FB0] =	sst s2  }
0xb: {  	[smem:$0x3FB1] =	sst s3  }
0xc: {  	[smem:$0x3FB2] =	sst s4  }
0xd: {  	[smem:$0x3FB3] =	sst s5  }
0xe: {  	[smem:$0x3FB4] =	sst s6  }
0xf: {  	[smem:$0x3FB5] =	sst s7  }
0x10: {  	[smem:$0x3FB6] =	sst s8  }
0x11: {  	[smem:$0x3FB7] =	sst s9;
	s0 =	simm.s32 @!p0 $0x0  }
0x12: {  	s1 =	sld [smem:$0x3F9D];
	s0 =	simm.s32 @p0 $0x1  }
0x13: {  	[smem:$0x3FB8] =	sst s0;
	s0 =	simm.s32 @!p1 $0x0  }
0x14: {  	s2 =	sld [smem:$0x3F9C];
	s0 =	simm.s32 @p1 $0x1  }
0x15: {  	[smem:$0x3FB9] =	sst s0;
	s0 =	simm.s32 @!p2 $0x0  }
0x16: {  	s3 =	sld [smem:$0x3FDB];
	s0 =	simm.s32 @p2 $0x1  }
0x17: {  	s4 =	simm.s32 $0x1BF5;
	[smem:$0x3FBB] =	sst s0  }
0x18: {  	s0 =	sld [smem:$0x3F9E];
	_ =	swait.ge [sflag:s4], $0x0  }
0x19: {  	s7 =	sld [smem:$0x3F9F]  }
0x1a: {  	s8 =	sadd.s32 $0xFFFFE003, lr  }
0x1b: {  	s9 =	sadd.s32 $0xFFFFFEF7, lr;
	s5 =	simm.s32 $0xFFFFFFFF;
	p2 =	slt.u32 s8, $0xFFFFF086  }
0x1c: {  	p1 =	slt.u32 s9, $0xF7A;
	s5 =	simm.s32 @!p2 $0x0  }
0x1d: {  	s5 =	simm.s32 @p1 $0x1;
	p0 =	seq.s32 s7, s2  }
0x1e: {  	s7 =	smul.u32 @!p0 $0xF7A, s2;
	p2 =	seq.s32 @!p0 s5, $0x0  }
0x1f: {  	s9 =	smul.u32 $0xF7A, s1;
	s8 =	simm.s32 @!p0 $0x1BF5;
	p2 =	por !p2, p0  }
0x20: {  	[sflag:s8] =	ssyncset.s32 @!p0 $0xFFFFF086;
	s6 =	sadd.s32 @!p0 s3, s7;
	s7 =	simm.s32 @!p0 $0x108  }
0x21: {  	s3 =	sadd.s32 s3, s9;
	s6 =	sadd.s32 @!p0 $0x88, s6;
	s7 =	simm.s32 @p2 $0x1082  }
0x22: {  	[simem:s7], [sflag:s8] =	dma.local @!p0 [hbm:s6], $0xF7A  }
0x23: {  	s9 =	sor.u32 $0xD0000000, s2;
	s6 =	simm.s32 $0x108;
	_ =	swait.ge @!p0 [sflag:s8], $0x0  }
0x24: {  	s3 =	sadd.s32 $0x88, s3;
	s6 =	simm.s32 @!p1 $0x1082;
	[sflag:s4] =	ssyncset.s32 $0xFFFFF086  }
0x25: {  	[simem:s6], [sflag:s4] =	dma.local [hbm:s3], $0xF7A  }
0x26: {  	[smem:$0x3F9F] =	sst s1;
	(tag) =	ssettag s2;
	_ =	strace s9  }
0x27: {  	s1 =	sld [smem:$0x3FAF]  }
0x28: {  	s2 =	sld [smem:$0x3FB0]  }
0x29: {  	s4 =	sld [smem:$0x3FB2]  }
0x2a: {  	p0 =	seq.s32 s5, $0x0;
	s5 =	sld [smem:$0x3FB3]  }
0x2b: {  	s6 =	sld [smem:$0x3FB4]  }
0x2c: {  	s7 =	sld [smem:$0x3FB5]  }
0x2d: {  	s3 =	simm.s32 $0x108;
	s8 =	sld [smem:$0x3FB6]  }
0x2e: {  	s3 =	simm.s32 @!p0 $0x1082;
	s9 =	sld [smem:$0x3FB7]  }
0x2f: {  	lr =	sadd.s32 s0, s3;
	s0 =	sld [smem:$0x3FAE]  }
0x30: {  	s3 =	sld [smem:$0x3FB1]  }
0x31: {  	[smem:$0x3FBA] =	sst s10  }
0x32: {  	s10 =	sld [smem:$0x3FB8];
	_ =	sdelay $0x3  }
0x33: {  	p0 =	seq.s32 s10, $0x1;
	s10 =	sld [smem:$0x3FBA];
	_ =	sdelay $0x3  }
0x34: {  	[smem:$0x3FBA] =	sst s10  }
0x35: {  	s10 =	sld [smem:$0x3FB9];
	_ =	sdelay $0x3  }
0x36: {  	p1 =	seq.s32 s10, $0x1;
	s10 =	sld [smem:$0x3FBA];
	_ =	sdelay $0x3  }
0x37: {  	[smem:$0x3FBA] =	sst s10  }
0x38: {  	s10 =	sld [smem:$0x3FBB]  }
0x39: {  	_ = 	snop;
	(pc) =	sbr.ind lr, $3  }
0x3a: {  	_ = 	snop  }
0x3b: {  	_ = 	snop  }
0x3c: {  	p2 =	seq.s32 s10, $0x1;
	s10 =	sld [smem:$0x3FBA]  }
0x3d: {  	_ =	shalt  }
0x3e: {  	_ =	shalt  }
0x3f: {  	_ =	shalt  }
0x40: {  	_ =	shalt  }
0x41: {  	_ =	shalt  }
0x42: {  	_ =	shalt  }
0x43: {  	_ =	shalt  }
0x44: {  	_ =	shalt  }
0x45: {  	_ =	shalt  }
0x46: {  	_ =	shalt  }
0x47: {  	_ =	shalt  }
0x48: {  	_ =	shalt  }
0x49: {  	_ =	shalt  }
0x4a: {  	_ =	shalt  }
0x4b: {  	_ =	shalt  }
0x4c: {  	_ =	shalt  }
0x4d: {  	_ =	shalt  }
0x4e: {  	_ =	shalt  }
0x4f: {  	_ =	shalt  }
0x50: {  	_ =	shalt  }
0x51: {  	_ =	shalt  }
0x52: {  	_ =	shalt  }
0x53: {  	_ =	shalt  }
0x54: {  	_ =	shalt  }
0x55: {  	_ =	shalt  }
0x56: {  	_ =	shalt  }
0x57: {  	_ =	shalt  }
0x58: {  	_ =	shalt  }
0x59: {  	_ =	shalt  }
0x5a: {  	_ =	shalt  }
0x5b: {  	_ =	shalt  }
0x5c: {  	_ =	shalt  }
0x5d: {  	_ =	shalt  }
0x5e: {  	_ =	shalt  }
0x5f: {  	_ =	shalt  }
0x60: {  	_ =	shalt  }
0x61: {  	_ =	shalt  }
0x62: {  	_ =	shalt  }
0x63: {  	_ =	shalt  }
0x64: {  	_ =	shalt  }
0x65: {  	_ =	shalt  }
0x66: {  	_ =	shalt  }
0x67: {  	_ =	shalt  }
0x68: {  	_ =	shalt  }
0x69: {  	_ =	shalt  }
0x6a: {  	_ =	shalt  }
0x6b: {  	_ =	shalt  }
0x6c: {  	_ =	shalt  }
0x6d: {  	_ =	shalt  }
0x6e: {  	_ =	shalt  }
0x6f: {  	_ =	shalt  }
0x70: {  	_ =	shalt  }
0x71: {  	_ =	shalt  }
0x72: {  	_ =	shalt  }
0x73: {  	_ =	shalt  }
0x74: {  	_ =	shalt  }
0x75: {  	_ =	shalt  }
0x76: {  	_ =	shalt  }
0x77: {  	_ =	shalt  }
0x78: {  	_ =	shalt  }
0x79: {  	_ =	shalt  }
0x7a: {  	_ =	shalt  }
0x7b: {  	_ =	shalt  }
0x7c: {  	_ =	shalt  }
0x7d: {  	_ =	shalt  }
0x7e: {  	_ =	shalt  }
0x7f: {  	_ =	shalt  }
0x80: {  	_ =	shalt  }
0x81: {  	_ =	shalt  }
0x82: {  	_ =	shalt  }
0x83: {  	_ =	shalt  }
0x84: {  	_ =	shalt  }
0x85: {  	_ =	shalt  }
0x86: {  	_ =	shalt  }
0x87: {  	_ =	shalt  }
.Lfunc_end0:
.L_simem_size_0:
called_computation_lowered:
.L_overlay_start_0:
0x88: {  	s2 =	sld [smem:$0x3FD9]  }
0x89: {  	s3 =	sld [smem:$0x3FFE];
	_ =	sdelay $0x1  }
0x8a: {  	s1 =	srdreg.scid  }
0x8b: {  	s0 =	sand.u32 $0x1, s1  }
0x8c: {  	s17 =	sshll.u32 s0, $0xA;
	s2 =	sadd.s32 s3, s2  }
0x8d: {  	s2 =	sadd.s32 s2, s17  }
0x8e: {  	[smem:$0x3FC6] =	sst s2  }
0x8f: {  	_ = 	snop  }
0x90: {  	s2 =	sld [smem:$0x3FC8]  }
0x91: {  	s18 =	sld [smem:$0x3FD0];
	(tm) =	ssettm $0x1  }
0x92: {  	s4 =	sld [smem:$0x3FFB];
	_ =	sdelay $0x3  }
0x93: {  	_ =	strace s4  }
0x94: {  	s4 =	sld [smem:$0x3FFC];
	_ =	sdelay $0x3  }
0x95: {  	_ =	strace s4  }
0x96: {  	s4 =	sld [smem:$0x3FFD];
	_ =	sdelay $0x3  }
0x97: {  	_ =	strace s4  }
0x98: {  	_ =	strace $0x8FFFFFFF  }
0x99: {  	s19 =	sld [smem:$0x3FDB];
	_ =	sdelay $0x1  }
0x9a: {  	s5 =	simm.s32 $_scs_section_size  }
0x9b: {  	s6 =	simm.s32 $_size__tile_overlayer_lowered;
	s7 =	simm.s32 $_tile_overlayer_lowered  }
0x9c: {  	s22 =	simm.s32 $0x1BFF;
	s21 =	sshll.u32 s7, $0x1;
	s4 =	sadd.s32 s5, s19  }
0x9d: {  	s8 =	simm.s32 $0x0;
	s20 =	sshll.u32 s6, $0x1;
	s6 =	sadd.s32 s21, s4  }
0x9e: {  	[timem:s8], [sflag:s22] =	dma.local [hbm:s6], s20  }
0x9f: {  	_ =	swait.ge [sflag:s22], s20  }
0xa0: {  	s5 =	ssub.s32 $0x0, s20;
	[sflag:s22] =	ssyncset.done $0x0  }
0xa1: {  	[sflag:s22] =	ssyncadd.s32 s5;
	_ =	sdelay $0x1  }
0xa2: {  	s23 =	simm.s32 $0x1B8B  }
0xa3: {  	_ =	swait.ge [sflag:s23], $0x1  }
0xa4: {  	[sflag:s23] =	ssyncset.done $0x0  }
0xa5: {  	s25 =	simm.s32 $0x1B8E;
	s24 =	sld [smem:$0x3FFE];
	[sflag:s23] =	ssyncadd.s32 $0xFFFFFFFF  }
0xa6: {  	s26 =	simm.s32 $execute0_lowered;
	[smem:$0x3FD2] =	sst s25  }
0xa7: {  	s6 =	sshll.u32 s26, $0x1;
	_ =	strace $0x80000046;
	[dreg:$0x1] =	wrdreg $0xFFFFFFFF  }
0xa8: {  	s28 =	simm.s32 $_size_execute0_lowered;
	s4 =	sadd.s32 s4, s6;
	[dreg:$0x0] =	wrdreg $0x0  }
0xa9: {  	s6 =	sshll.u32 s28, $0x1;
	[dreg:$0x2] =	wrdreg s4  }
0xaa: {  	[dreg:$0x3] =	wrdreg s6  }
0xab: {  	[dreg:$0x4] =	wrdreg $0xC0  }
0xac: {  	_ =	task [dreg:s8], $0x5FFFF  }
0xad: {  	[dreg:$0x1] =	wrdreg $0xFFFFFFFF  }
0xae: {  	[dreg:$0x0] =	wrdreg $0x60  }
0xaf: {  	[dreg:$0x2] =	wrdreg s24  }
0xb0: {  	[dreg:$0x3] =	wrdreg s2  }
0xb1: {  	[dreg:$0x4] =	wrdreg s18  }
0xb2: {  	[dreg:$0x5] =	wrdreg $0x9  }
0xb3: {  	_ =	task.clear_ibuf [dreg:s8], $0x6FFFF;
	_ =	strace $0x90000046  }
0xb4: {  	s29 =	simm.s32 $0x9;
	_ =	strace $0x80000048  }
0xb5: {  	_ =	swait.ge [sflag:s29], $0x1  }
0xb6: {  	[sflag:s29] =	ssyncadd.s32 $0xFFFFFFFF  }
0xb7: {  	_ =	strace $0x90000048  }
0xb8: {  	_ =	sfence  }
0xb9: {  	s30 =	sld [smem:$0x0];
	_ =	sdelay $0x2  }
0xba: {  	s31 =	sshll.u32 s1, $0xD;
	s1 =	sshrl.u32 s1, $0x2  }
0xbb: {  	s3 =	sand.u32 $0x4000, s31;
	s1 =	sadd.s32 s1, s30  }
0xbc: {  	s0 =	sor.u32 s3, s0;
	s1 =	sshll.u32 s1, $0x11  }
0xbd: {  	s0 =	sor.u32 s1, s0  }
0xbe: {  	s0 =	sadd.s32 $0x8F2B, s0  }
0xbf: {  	[sflag:s0] =	ssyncadd.remote.s32 $0x1  }
0xc0: {  	_ =	sfence.sel $0xFFFF  }
0xc1: {  	[dreg:$0x0] =	wrdreg $0xFFFFFFFF;
	(pc) =	sbr.abs _section_cstart, $3  }
0xc2: {  	[dreg:$0x1] =	wrdreg $0xFFFFFFFF  }
0xc3: {  	_ =	task.clear_ibuf [dreg:s8], $0x2FFFF;
	_ =	strace $0x9FFFFFFF  }
0xc4: {  	(tm) =	ssettm $0x7FFFFFFF  }
0xc5: {  	_ =	shalt  }
tec
execute0_lowered:
.L_overlay_start_1:
0x0: {  	(tag) =	ssettag $0x1  }
0x1: {  	s1 =	rddreg [dreg:$0x0]  }
0x2: {  	s3 =	srdreg.scid;
	s2 =	rddreg [dreg:$0x1]  }
0x3: {  	s0 =	stileid.u32;
	s11 =	rddreg [dreg:$0x2];
	s15 =	simm.s32 $0xA400  }
0x4: {  	s16 =	simm.s32 $0x100;
	s17 =	simm.s32 $0xE400;
	s18 =	simm.s32 $0x180  }
0x5: {  	s19 =	simm.s32 $0x12400;
	s20 =	simm.s32 $0x1;
	s21 =	simm.s32 $0x2  }
0x6: {  	s22 =	simm.s32 $0x3;
	s23 =	simm.s32 $0x4;
	s24 =	simm.s32 $0x5  }
0x7: {  	s25 =	simm.s32 $0x6;
	s28 =	simm.s32 $0x8;
	s7 =	smul.u32 $0x640000, s0  }
0x8: {  	s29 =	simm.s32 $0x0;
	s9 =	sand.u32 $0x1, s3;
	s13 =	smul.u32 $0xC8000, s0  }
0x9: {  	s26 =	sshll.u32 s0, $0x1;
	s3 =	simm.s32 $0x0;
	s10 =	smul.u32 $0x320000, s9  }
0xa: {  	s4 =	sor.u32 s9, s26;
	[smem:$0x7FF] =	sst s3;
	s14 =	smul.u32 $0x64000, s9  }
0xb: {  	s6 =	ssub.s32 $0x2, s9;
	s26 =	simm.s32 $0x7;
	s5 =	smul.u32 $0x6400, s4  }
0xc: {  	s4 =	smul.u32 $0x64000, s4;
	_ =	strace $0x80000047;
	s8 =	sshrl.u32 s6, $0x1  }
0xd: {  	s31 =	sadd.s32 s13, s11;
	s13 =	simm.s32 $0x80;
	s12 =	ssub.s32 s6, s8  }
0xe: {  	s30 =	sadd.s32 s10, s7;
	s5 =	sshrl.u32 s5, $0x3;
	s4 =	sadd.s32 s11, s4  }
0xf: {  	s9 =	smax.u32 s12, $0x1;
	s12 =	simm.s32 $0x9;
	s1 =	sadd.s32 s5, s1  }
0x10: {  	s6 =	sadd.s32 $0x800, s4;
	s5 =	sadd.s32 $0x400, s1;
	s1 =	sor.u32 $0x10000, s30  }
0x11: {  	s7 =	sadd.s32 $0x1000, s4;
	s8 =	sadd.s32 $0x1800, s4;
	s1 =	sshrl.u32 s1, $0x3  }
0x12: {  	s10 =	sadd.s32 s1, s11;
	s11 =	sadd.s32 s14, s31;
	s14 =	simm.s32 $0x6400  }
.LBB2_1:
0x13: {  	[tilespmem:s3], [sflag:$0x9] =	stream.linear.gather [hbm4b:s5+s3], $0x6400, $0x38;
	[tilespmem:$0x16400] =	vst v63  }
0x14: {  	_ =	swait.ge [sflag:s12], $0x6400  }
0x15: {  	[sflag:s12] =	ssyncset.done $0x0  }
0x16: {  	[sflag:s12] =	ssyncadd.s32 $0xFFFF9C00  }
0x17: {  	[tilespmem:s14], [sflag:$0x1] =	stream.indirect.gather [hbm4b:s2+s13], $0x80, s3, s13, $0xb8;
	[tilespmem:$0x16400] =	vst v63  }
0x18: {  	_ = 	snop  }
0x19: {  	[tilespmem:s15], [sflag:$0x2] =	stream.indirect.gather [hbm4b:s2+s13], $0x80, s13, s13, $0xb8;
	[tilespmem:$0x16400] =	vst v63  }
0x1a: {  	_ = 	snop  }
0x1b: {  	[tilespmem:s17], [sflag:$0x3] =	stream.indirect.gather [hbm4b:s2+s13], $0x80, s16, s13, $0xb8;
	[tilespmem:$0x16400] =	vst v63  }
0x1c: {  	_ = 	snop  }
0x1d: {  	[tilespmem:s19], [sflag:$0x4] =	stream.indirect.gather [hbm4b:s2+s13], $0x80, s18, s13, $0xb8;
	[tilespmem:$0x16400] =	vst v63  }
0x1e: {  	_ =	swait.ge [sflag:s20], $0x4000  }
0x1f: {  	[sflag:s20] =	ssyncset.done $0x0  }
0x20: {  	[sflag:s20] =	ssyncadd.s32 $0xFFFFC000  }
0x21: {  	[hbm4b:s4+s3] =	stream.linear.scatter [tilespmem:s14], [sflag:$0x5], $0x4000, $0x38;
	[tilespmem:$0x16400] =	vst v63  }
0x22: {  	_ =	swait.ge [sflag:s21], $0x4000  }
0x23: {  	[sflag:s21] =	ssyncset.done $0x0  }
0x24: {  	[sflag:s21] =	ssyncadd.s32 $0xFFFFC000  }
0x25: {  	[hbm4b:s6+s3] =	stream.linear.scatter [tilespmem:s15], [sflag:$0x6], $0x4000, $0x38;
	[tilespmem:$0x16400] =	vst v63  }
0x26: {  	_ =	swait.ge [sflag:s22], $0x4000  }
0x27: {  	[sflag:s22] =	ssyncset.done $0x0  }
0x28: {  	[sflag:s22] =	ssyncadd.s32 $0xFFFFC000  }
0x29: {  	[hbm4b:s7+s3] =	stream.linear.scatter [tilespmem:s17], [sflag:$0x7], $0x4000, $0x38;
	[tilespmem:$0x16400] =	vst v63  }
0x2a: {  	_ =	swait.ge [sflag:s23], $0x4000  }
0x2b: {  	[sflag:s23] =	ssyncset.done $0x0  }
0x2c: {  	[sflag:s23] =	ssyncadd.s32 $0xFFFFC000  }
0x2d: {  	[hbm4b:s8+s3] =	stream.linear.scatter [tilespmem:s19], [sflag:$0x8], $0x4000, $0x38;
	[tilespmem:$0x16400] =	vst v63  }
0x2e: {  	_ =	swait.ge [sflag:s24], $0x4000  }
0x2f: {  	[sflag:s24] =	ssyncset.done $0x0  }
0x30: {  	s1 =	simm.s32 $0x200;
	[sflag:s24] =	ssyncadd.s32 $0xFFFFC000  }
0x31: {  	[tilespmem:s14], [sflag:$0x1] =	stream.indirect.gather [hbm4b:s2+s13], $0x80, s1, s13, $0xb8;
	[tilespmem:$0x16400] =	vst v63  }
0x32: {  	_ =	swait.ge [sflag:s25], $0x4000  }
0x33: {  	[sflag:s25] =	ssyncset.done $0x0  }
0x34: {  	s0 =	simm.s32 $0x280;
	[sflag:s25] =	ssyncadd.s32 $0xFFFFC000  }
0x35: {  	[tilespmem:s15], [sflag:$0x2] =	stream.indirect.gather [hbm4b:s2+s13], $0x80, s0, s13, $0xb8;
	[tilespmem:$0x16400] =	vst v63  }
0x36: {  	_ =	swait.ge [sflag:s26], $0x4000  }
0x37: {  	[sflag:s26] =	ssyncset.done $0x0  }
0x38: {  	s0 =	simm.s32 $0x300;
	[sflag:s26] =	ssyncadd.s32 $0xFFFFC000  }
0x39: {  	[tilespmem:s17], [sflag:$0x3] =	stream.indirect.gather [hbm4b:s2+s13], $0x80, s0, s13, $0xb8;
	[tilespmem:$0x16400] =	vst v63  }
0x3a: {  	_ =	swait.ge [sflag:s28], $0x4000  }
0x3b: {  	[sflag:s28] =	ssyncset.done $0x0  }
0x3c: {  	s0 =	simm.s32 $0x380;
	[sflag:s28] =	ssyncadd.s32 $0xFFFFC000  }
0x3d: {  	[tilespmem:s19], [sflag:$0x4] =	stream.indirect.gather [hbm4b:s2+s13], $0x80, s0, s13, $0xb8;
	[tilespmem:$0x16400] =	vst v63  }
0x3e: {  	_ =	swait.ge [sflag:s20], $0x4000  }
0x3f: {  	[sflag:s20] =	ssyncset.done $0x0  }
0x40: {  	s0 =	sadd.s32 $0x0, s10;
	[sflag:s20] =	ssyncadd.s32 $0xFFFFC000  }
0x41: {  	[hbm4b:s0+s3] =	stream.linear.scatter [tilespmem:s14], [sflag:$0x5], $0x4000, $0x38;
	[tilespmem:$0x16400] =	vst v63  }
0x42: {  	_ =	swait.ge [sflag:s21], $0x4000  }
0x43: {  	s0 =	sadd.s32 $0x0, s11;
	[sflag:s21] =	ssyncset.done $0x0  }
0x44: {  	s30 =	sadd.s32 $0x2800, s0;
	[sflag:s21] =	ssyncadd.s32 $0xFFFFC000  }
0x45: {  	[hbm4b:s30+s3] =	stream.linear.scatter [tilespmem:s15], [sflag:$0x6], $0x4000, $0x38;
	[tilespmem:$0x16400] =	vst v63  }
0x46: {  	_ =	swait.ge [sflag:s22], $0x4000  }
0x47: {  	[sflag:s22] =	ssyncset.done $0x0  }
0x48: {  	s30 =	sadd.s32 $0x3000, s0;
	[sflag:s22] =	ssyncadd.s32 $0xFFFFC000  }
0x49: {  	[hbm4b:s30+s3] =	stream.linear.scatter [tilespmem:s17], [sflag:$0x7], $0x4000, $0x38;
	[tilespmem:$0x16400] =	vst v63  }
0x4a: {  	_ =	swait.ge [sflag:s23], $0x4000  }
0x4b: {  	s31 =	simm.s32 $0x400;
	[sflag:s23] =	ssyncset.done $0x0  }
0x4c: {  	s1 =	sadd.s32 $0x3800, s0;
	s30 =	simm.s32 $0x2000;
	[sflag:s23] =	ssyncadd.s32 $0xFFFFC000  }
.LBB2_2:
0x4d: {  	[hbm4b:s1+s3] =	stream.linear.scatter [tilespmem:s19], [sflag:$0x8], $0x4000, $0x38;
	[tilespmem:$0x16400] =	vst v63  }
0x4e: {  	s1 =	smov.u32 s30  }
0x4f: {  	p0 =	sne.s32 s30, $0x60000;
	s30 =	sadd.s32 $0x2000, s30;
	_ =	swait.ge [sflag:s24], $0x4000  }
0x50: {  	[sflag:s24] =	ssyncset.done $0x0  }
0x51: {  	[sflag:s24] =	ssyncadd.s32 $0xFFFFC000  }
0x52: {  	[tilespmem:s14], [sflag:$0x1] =	stream.indirect.gather [hbm4b:s2+s13], $0x80, s31, s13, $0xb8;
	[tilespmem:$0x16400] =	vst v63  }
0x53: {  	_ =	swait.ge [sflag:s25], $0x4000  }
0x54: {  	[sflag:s25] =	ssyncset.done $0x0  }
0x55: {  	s0 =	sadd.s32 $0x80, s31;
	[sflag:s25] =	ssyncadd.s32 $0xFFFFC000  }
0x56: {  	[tilespmem:s15], [sflag:$0x2] =	stream.indirect.gather [hbm4b:s2+s13], $0x80, s0, s13, $0xb8;
	[tilespmem:$0x16400] =	vst v63  }
0x57: {  	_ =	swait.ge [sflag:s26], $0x4000  }
0x58: {  	[sflag:s26] =	ssyncset.done $0x0  }
0x59: {  	s0 =	sadd.s32 $0x100, s31;
	[sflag:s26] =	ssyncadd.s32 $0xFFFFC000  }
0x5a: {  	[tilespmem:s17], [sflag:$0x3] =	stream.indirect.gather [hbm4b:s2+s13], $0x80, s0, s13, $0xb8;
	[tilespmem:$0x16400] =	vst v63  }
0x5b: {  	_ =	swait.ge [sflag:s28], $0x4000  }
0x5c: {  	[sflag:s28] =	ssyncset.done $0x0  }
0x5d: {  	s0 =	sadd.s32 $0x180, s31;
	[sflag:s28] =	ssyncadd.s32 $0xFFFFC000  }
0x5e: {  	[tilespmem:s19], [sflag:$0x4] =	stream.indirect.gather [hbm4b:s2+s13], $0x80, s0, s13, $0xb8;
	[tilespmem:$0x16400] =	vst v63  }
0x5f: {  	_ =	swait.ge [sflag:s20], $0x4000  }
0x60: {  	[sflag:s20] =	ssyncset.done $0x0  }
0x61: {  	s0 =	sadd.s32 s1, s10;
	[sflag:s20] =	ssyncadd.s32 $0xFFFFC000  }
0x62: {  	[hbm4b:s0+s3] =	stream.linear.scatter [tilespmem:s14], [sflag:$0x5], $0x4000, $0x38;
	[tilespmem:$0x16400] =	vst v63  }
0x63: {  	_ =	swait.ge [sflag:s21], $0x4000  }
0x64: {  	s0 =	sadd.s32 s1, s11;
	[sflag:s21] =	ssyncset.done $0x0  }
0x65: {  	s1 =	sadd.s32 $0x2800, s0;
	[sflag:s21] =	ssyncadd.s32 $0xFFFFC000  }
0x66: {  	[hbm4b:s1+s3] =	stream.linear.scatter [tilespmem:s15], [sflag:$0x6], $0x4000, $0x38;
	[tilespmem:$0x16400] =	vst v63  }
0x67: {  	_ =	swait.ge [sflag:s22], $0x4000  }
0x68: {  	[sflag:s22] =	ssyncset.done $0x0  }
.Ltmp0:
0x69: {  	s1 =	sadd.s32 $0x3000, s0;
	[sflag:s22] =	ssyncadd.s32 $0xFFFFC000;
	(pc) =	sbr.rel @p0 .LBB2_2-.Ltmp0, $4  }
0x6a: {  	[hbm4b:s1+s3] =	stream.linear.scatter [tilespmem:s17], [sflag:$0x7], $0x4000, $0x38;
	[tilespmem:$0x16400] =	vst v63  }
0x6b: {  	_ =	swait.ge [sflag:s23], $0x4000  }
0x6c: {  	[sflag:s23] =	ssyncset.done $0x0  }
0x6d: {  	s31 =	sadd.s32 $0x200, s31;
	s1 =	sadd.s32 $0x3800, s0;
	[sflag:s23] =	ssyncadd.s32 $0xFFFFC000  }
0x6e: {  	[hbm4b:s1+s3] =	stream.linear.scatter [tilespmem:s19], [sflag:$0x8], $0x4000, $0x38;
	[tilespmem:$0x16400] =	vst v63  }
0x6f: {  	_ =	swait.ge [sflag:s24], $0x4000  }
0x70: {  	[sflag:s24] =	ssyncset.done $0x0  }
0x71: {  	[sflag:s24] =	ssyncadd.s32 $0xFFFFC000  }
0x72: {  	_ =	swait.ge [sflag:s25], $0x4000  }
0x73: {  	[sflag:s25] =	ssyncset.done $0x0  }
0x74: {  	s29 =	sadd.s32 $0x1, s29;
	[sflag:s25] =	ssyncadd.s32 $0xFFFFC000  }
0x75: {  	p0 =	sne.s32 s29, s9;
	_ =	swait.ge [sflag:s26], $0x4000  }
.Ltmp1:
0x76: {  	[sflag:s26] =	ssyncset.done $0x0;
	(pc) =	sbr.rel @p0 .LBB2_1-.Ltmp1, $4  }
0x77: {  	[sflag:s26] =	ssyncadd.s32 $0xFFFFC000  }
0x78: {  	_ =	swait.ge [sflag:s28], $0x4000  }
0x79: {  	[sflag:s28] =	ssyncset.done $0x0  }
0x7a: {  	[sflag:s28] =	ssyncadd.s32 $0xFFFFC000  }
0x7b: {  	_ =	sfence.sel $0x180000  }
0x7c: {  	[bflag:$0x0] =	sbarrier.arrive $0xFFFF  }
0x7d: {  	_ =	strace $0x90000047  }
0x7e: {  	s0 =	stileid.u32;
	[bflag:$0x2] =	sbarrier.arrive $0xFFFF  }
0x7f: {  	p0 =	sne.s32 s0, $0x0;
	s0 =	rddreg [dreg:$0x3]  }
0x80: {  	s0 =	sadd.s32 @!p0 $0x100000, s0  }
0x81: {  	[sflag:s0] =	ssyncadd.tile.s32 @!p0 $0x1;
	_ =	shalt  }
.Lfunc_end2:
_tile_overlayer_lowered:
.L_overlay_start_2:
0x82: {  	(tag) =	ssettag $0x2  }
0x83: {  	s0 =	rddreg [dreg:$0x0];
	s2 =	stileid.u32  }
0x84: {  	s1 =	rddreg [dreg:$0x1];
	p0 =	sne.s32 s2, $0x0  }
0x85: {  	s3 =	rddreg [dreg:$0x2];
	[bflag:$0x3] =	sbarrier.arrive $0xFFFF;
	s2 =	simm.s32 @!p0 $0x1C09  }
0x86: {  	[timem:s3], [sflag:s2] =	dma.local @!p0 [hbm:s0], s1  }
0x87: {  	s0 =	simm.s32 @!p0 $0x9  }
0x88: {  	_ =	swait.ge @!p0 [sflag:s0], s1  }
0x89: {  	s1 =	ssub.s32 @!p0 $0x0, s1;
	[sflag:s0] =	ssyncset.done @!p0 $0x0  }
0x8a: {  	[sflag:s0] =	ssyncadd.s32 @!p0 s1  }
0x8b: {  	[bflag:$0x3] =	sbarrier.arrive $0xFFFF  }
0x8c: {  	_ =	shalt  }

</sc_bundles>
